<compile_context>
chip_gen: v7x
topology: tpu7x:2x2x1
jax: 0.10.2.dev20260603
libtpu: 0.0.44.dev20260713+nightly
codegen_flags: <defaults>
</compile_context>

<pallas_src>
import functools

import jax
import jax.numpy as jnp
from jax import lax
from jax.experimental import pallas as pl
from jax.experimental.pallas import tpu as pltpu
from jax.experimental.pallas import tpu_sc as plsc

B, T, BS, EMBED = 64, 24, 8, 1024
N = EMBED // 4

NC, NS = 2, 16
NW = NC * NS
ROWS = B * T * BS
RPW = ROWS // NW
NCHUNK = 8
CHUNK = RPW // NCHUNK
BTPW = RPW // BS
BTPC = CHUNK // BS


def _sc_body(tok_hbm, ts_hbm, ch_hbm, pe_hbm, mt_hbm, out_hbm,
             ts_v, me_v, pe_v, ch_v, buf0, buf1,
             sem_g, sin0, sin1, sout0, sout1):
    w = lax.axis_index("c") * NS + lax.axis_index("s")
    row0 = w * RPW
    bt0 = w * BTPW

    pltpu.sync_copy(ch_hbm, ch_v)
    pltpu.sync_copy(pe_hbm, pe_v)
    pltpu.sync_copy(ts_hbm.at[pl.ds(bt0, BTPW)], ts_v)
    pltpu.async_copy(mt_hbm.at[ts_v], me_v, sem_g).wait()

    bufs = (buf0, buf1)
    sins = (sin0, sin1)
    souts = (sout0, sout1)

    def in_copy(c, buf, sem):
        return pltpu.make_async_copy(
            tok_hbm.at[pl.ds(row0 + c * CHUNK, CHUNK), :], buf, sem)

    def out_copy(c, buf, sem):
        return pltpu.make_async_copy(
            buf, out_hbm.at[pl.ds(row0 + c * CHUNK, CHUNK), :], sem)

    in_copy(0, bufs[0], sins[0]).start()

    for c in range(NCHUNK):
        k = c % 2
        cur = bufs[k]
        in_copy(c, cur, sins[k]).wait()
        if c >= 1:
            out_copy(c - 1, bufs[1 - k], souts[1 - k]).wait()
        if c + 1 < NCHUNK:
            in_copy(c + 1, bufs[1 - k], sins[1 - k]).start()

        def row_body(rr, _):
            s = rr & 7
            g = rr >> 3
            m = g + BTPC * c
            tt = m + (bt0 % T)
            t = jnp.where(tt >= T, tt - T, tt)
            for j in range(N // 16):
                o = j * 16
                cur[rr, pl.ds(o, 16)] = (
                    cur[rr, pl.ds(o, 16)] + ch_v[s, pl.ds(o, 16)])
                cur[rr, pl.ds(N + o, 16)] = (
                    cur[rr, pl.ds(N + o, 16)] + pe_v[t, pl.ds(o, 16)])
                cur[rr, pl.ds(2 * N + o, 16)] = (
                    cur[rr, pl.ds(2 * N + o, 16)] + me_v[m, pl.ds(o, 16)])
            return _

        pass
        out_copy(c, cur, souts[k]).start()

    out_copy(NCHUNK - 1, bufs[(NCHUNK - 1) % 2], souts[(NCHUNK - 1) % 2]).wait()


def kernel(modality_tokens, timestamps, channel_embed, pos_embed, month_table):
    tok3 = modality_tokens.reshape(ROWS, EMBED)
    ts_flat = timestamps.astype(jnp.int32).reshape(B * T)

    mesh = plsc.VectorSubcoreMesh(core_axis_name="c", subcore_axis_name="s")
    sc = functools.partial(
        pl.kernel,
        mesh=mesh,
        out_type=jax.ShapeDtypeStruct((ROWS, EMBED), jnp.float32),
        scratch_types=[
            pltpu.VMEM((BTPW,), jnp.int32),
            pltpu.VMEM((BTPW, N), jnp.float32),
            pltpu.VMEM((T, N), jnp.float32),
            pltpu.VMEM((BS, N), jnp.float32),
            pltpu.VMEM((CHUNK, EMBED), jnp.float32),
            pltpu.VMEM((CHUNK, EMBED), jnp.float32),
            pltpu.SemaphoreType.DMA,
            pltpu.SemaphoreType.DMA,
            pltpu.SemaphoreType.DMA,
            pltpu.SemaphoreType.DMA,
            pltpu.SemaphoreType.DMA,
        ],
    )(_sc_body)
    out3 = sc(tok3, ts_flat, channel_embed, pos_embed, month_table)
    return out3.reshape(B, T, BS, EMBED)

# --- scband reference (transcript-rebuilt; emitter-appended) ---
"""Pipeline reference for scband-encoder-13889924235300 (READ-ONLY COPY).

The authoritative reference and input builder live on the scoring server;
editing this copy changes nothing except your own understanding.
"""

import jax, jax.numpy as jnp
import numpy as np

EMBED = 1024
N = EMBED // 4
B, T, BS = 64, 24, 8
MAX_SEQ = 24


def get_1d_sincos_pos_encoding(pos, dim):
    omega = np.arange(dim // 2, dtype=np.float64) / (dim / 2.0)
    omega = 1.0 / (10000.0 ** omega)
    out = np.einsum('p,d->pd', pos.astype(np.float64), omega)
    return np.concatenate([np.sin(out), np.cos(out)], axis=-1).astype(np.float32)


def get_month_encoding_table(d_hid):
    assert d_hid % 2 == 0
    angles = np.arange(0, 13) / (12.0 / (2.0 * np.pi))
    sin_t = np.sin(np.stack([angles] * (d_hid // 2), axis=-1))
    cos_t = np.cos(np.stack([angles] * (d_hid // 2), axis=-1))
    return np.concatenate([sin_t[:-1], cos_t[:-1]], axis=-1).astype(np.float32)


def setup_inputs(seed: int = 0) -> dict:
    key = jax.random.key(seed)
    k1, k2, k3 = jax.random.split(key, 3)
    modality_tokens = jax.random.normal(k1, (B, T, BS, EMBED), dtype=jnp.float32)
    timestamps = jax.random.randint(k2, (B, T), 0, 12, dtype=jnp.int64 if jax.config.jax_enable_x64 else jnp.int32)
    channel_embed = jax.random.normal(k3, (BS, N), dtype=jnp.float32)
    pos_embed = jnp.asarray(get_1d_sincos_pos_encoding(np.arange(MAX_SEQ), N))
    month_table = jnp.asarray(get_month_encoding_table(N))
    return {
        'modality_tokens': modality_tokens,
        'timestamps': timestamps,
        'channel_embed': channel_embed,
        'pos_embed': pos_embed,
        'month_table': month_table,
    }


def reference(modality_tokens, timestamps, channel_embed, pos_embed, month_table):
    # CompositeEncodings._apply_encodings_per_modality for a multitemporal
    # modality with tokens shaped [b, t, b_s, d] ('b t b_s d' ein-string path).
    b, t, b_s, d = modality_tokens.shape
    n = d // 4
    modality_embed = jnp.zeros_like(modality_tokens)
    # 1) channel (bandset) embeddings -> dims [0:n]
    ch = jnp.broadcast_to(channel_embed[None, None, :, :], (b, t, b_s, n))
    modality_embed = modality_embed.at[..., :n].add(ch)
    # 2) 1D sincos temporal position encoding -> dims [n:2n]
    pe = jnp.broadcast_to(pos_embed[:t][None, :, None, :], (b, t, b_s, n))
    modality_embed = modality_embed.at[..., n:2 * n].add(pe)
    # 3) month embedding lookup (nn.Embedding gather) -> dims [2n:3n]
    me = jnp.take(month_table, timestamps, axis=0)  # [b, t, n]
    me = jnp.broadcast_to(me[:, :, None, :], (b, t, b_s, n))
    modality_embed = modality_embed.at[..., 2 * n:3 * n].add(me)
    # 4) spatial encoding dims [3n:4n] stay zero for non-spatial token layout
    return modality_tokens + modality_embed

if __name__ == "__main__":
    import jax
    _d = setup_inputs()
    print(jax.jit(kernel)(*tuple(_d.values())))

</pallas_src>

<mosaic_0001>
#map = affine_map<(d0, d1) -> (0, 0)>
#map1 = affine_map<(d0, d1) -> (0)>
module attributes {stable_mosaic.version = 14 : i64} {
  func.func @_sc_body(%arg0: i32, %arg1: i32, %arg2: memref<12288x1024xf32, #tpu.memory_space<hbm>>, %arg3: memref<1536xi32, #tpu.memory_space<hbm>>, %arg4: memref<8x256xf32, #tpu.memory_space<hbm>>, %arg5: memref<24x256xf32, #tpu.memory_space<hbm>>, %arg6: memref<12x256xf32, #tpu.memory_space<hbm>>, %arg7: memref<12288x1024xf32, #tpu.memory_space<hbm>>, %arg8: memref<48xi32, #tpu.memory_space<vmem>>, %arg9: memref<48x256xf32, #tpu.memory_space<vmem>>, %arg10: memref<24x256xf32, #tpu.memory_space<vmem>>, %arg11: memref<8x256xf32, #tpu.memory_space<vmem>>, %arg12: memref<48x1024xf32, #tpu.memory_space<vmem>>, %arg13: memref<48x1024xf32, #tpu.memory_space<vmem>>, %arg14: memref<!tpu.dma_semaphore, #tpu.memory_space<semaphore_mem>>, %arg15: memref<!tpu.dma_semaphore, #tpu.memory_space<semaphore_mem>>, %arg16: memref<!tpu.dma_semaphore, #tpu.memory_space<semaphore_mem>>, %arg17: memref<!tpu.dma_semaphore, #tpu.memory_space<semaphore_mem>>, %arg18: memref<!tpu.dma_semaphore, #tpu.memory_space<semaphore_mem>>) attributes {dimension_semantics = [#tpu.dimension_semantics<core_parallel>, #tpu.dimension_semantics<subcore_parallel>], iteration_bounds = array<i64: 2, 16>, scalar_prefetch = 0 : i64, scratch_operands = 11 : i64, tpu.core_type = #tpu.core_type<sc_vector_subcore>, window_params = [{transform_indices = #map}, {transform_indices = #map1}, {transform_indices = #map}, {transform_indices = #map}, {transform_indices = #map}, {transform_indices = #map}]} {
    %mul3A = arith.constant 16 : i32
    %mul3A_0 = arith.muli %arg0, %mul3A : i32
    %add3A = arith.addi %mul3A_0, %arg1 : i32
    %mul3A_1 = arith.constant 384 : i32
    %mul3A_2 = arith.muli %add3A, %mul3A_1 : i32
    %mul3A_3 = arith.constant 48 : i32
    %mul3A_4 = arith.muli %add3A, %mul3A_3 : i32
    "tpu.region"() ({
      %run_scoped3A = tpu.sem_alloc : memref<!tpu.dma_semaphore, #tpu.memory_space<semaphore_mem>>
      tpu.enqueue_dma source(%arg4 : memref<8x256xf32, #tpu.memory_space<hbm>>) target(%arg11 : memref<8x256xf32, #tpu.memory_space<vmem>>) target_semaphore(%run_scoped3A : memref<!tpu.dma_semaphore, #tpu.memory_space<semaphore_mem>>)
      tpu.wait_dma2 semaphore(%run_scoped3A : memref<!tpu.dma_semaphore, #tpu.memory_space<semaphore_mem>>) src(%arg4 : memref<8x256xf32, #tpu.memory_space<hbm>>) dst(%arg11 : memref<8x256xf32, #tpu.memory_space<vmem>>)
      tpu.yield
    }) : () -> ()
    "tpu.region"() ({
      %run_scoped3A = tpu.sem_alloc : memref<!tpu.dma_semaphore, #tpu.memory_space<semaphore_mem>>
      tpu.enqueue_dma source(%arg5 : memref<24x256xf32, #tpu.memory_space<hbm>>) target(%arg10 : memref<24x256xf32, #tpu.memory_space<vmem>>) target_semaphore(%run_scoped3A : memref<!tpu.dma_semaphore, #tpu.memory_space<semaphore_mem>>)
      tpu.wait_dma2 semaphore(%run_scoped3A : memref<!tpu.dma_semaphore, #tpu.memory_space<semaphore_mem>>) src(%arg5 : memref<24x256xf32, #tpu.memory_space<hbm>>) dst(%arg10 : memref<24x256xf32, #tpu.memory_space<vmem>>)
      tpu.yield
    }) : () -> ()
    "tpu.region"() ({
      %run_scoped3A = tpu.sem_alloc : memref<!tpu.dma_semaphore, #tpu.memory_space<semaphore_mem>>
      %dma_start3A_201 = tpu.memref_slice %arg3[%mul3A_4] : memref<1536xi32, #tpu.memory_space<hbm>> -> memref<48xi32, #tpu.memory_space<hbm>>
      %dma_start3A_202 = tpu.memref_slice %arg3[%mul3A_4] : memref<1536xi32, #tpu.memory_space<hbm>> -> memref<48xi32, #tpu.memory_space<hbm>>
      tpu.enqueue_dma source(%dma_start3A_202 : memref<48xi32, #tpu.memory_space<hbm>>) target(%arg8 : memref<48xi32, #tpu.memory_space<vmem>>) target_semaphore(%run_scoped3A : memref<!tpu.dma_semaphore, #tpu.memory_space<semaphore_mem>>)
      %dma_wait3A_203 = tpu.memref_slice %arg3[%mul3A_4] : memref<1536xi32, #tpu.memory_space<hbm>> -> memref<48xi32, #tpu.memory_space<hbm>>
      %dma_wait3A_204 = tpu.memref_slice %arg3[%mul3A_4] : memref<1536xi32, #tpu.memory_space<hbm>> -> memref<48xi32, #tpu.memory_space<hbm>>
      tpu.wait_dma2 semaphore(%run_scoped3A : memref<!tpu.dma_semaphore, #tpu.memory_space<semaphore_mem>>) src(%dma_wait3A_204 : memref<48xi32, #tpu.memory_space<hbm>>) dst(%arg8 : memref<48xi32, #tpu.memory_space<vmem>>)
      tpu.yield
    }) : () -> ()
    %dma_start3A = arith.constant 0 : i32
    %dma_start3A_5 = arith.constant 0 : i32
    %dma_start3A_6 = tpu.memref_slice %arg6[%dma_start3A, %dma_start3A_5] : memref<12x256xf32, #tpu.memory_space<hbm>> -> memref<12x256xf32, #tpu.memory_space<hbm>>
    tpu.enqueue_indirect_dma source(%dma_start3A_6 : memref<12x256xf32, #tpu.memory_space<hbm>>) target(%arg9 : memref<48x256xf32, #tpu.memory_space<vmem>>) offsets(%arg8 : memref<48xi32, #tpu.memory_space<vmem>>) semaphore(%arg14 : memref<!tpu.dma_semaphore, #tpu.memory_space<semaphore_mem>>)
    %dma_wait3A = arith.constant 0 : i32
    %dma_wait3A_7 = arith.constant 0 : i32
    %dma_wait3A_8 = tpu.memref_slice %arg6[%dma_wait3A, %dma_wait3A_7] : memref<12x256xf32, #tpu.memory_space<hbm>> -> memref<12x256xf32, #tpu.memory_space<hbm>>
    tpu.wait_indirect_dma semaphore(%arg14 : memref<!tpu.dma_semaphore, #tpu.memory_space<semaphore_mem>>) src(%dma_wait3A_8 : memref<12x256xf32, #tpu.memory_space<hbm>>) dst(%arg9 : memref<48x256xf32, #tpu.memory_space<vmem>>)
    %add3A_9 = arith.constant 0 : i32
    %add3A_10 = arith.addi %mul3A_2, %add3A_9 : i32
    %dma_start3A_11 = arith.constant 0 : i32
    %dma_start3A_12 = tpu.memref_slice %arg2[%add3A_10, %dma_start3A_11] : memref<12288x1024xf32, #tpu.memory_space<hbm>> -> memref<48x1024xf32, #tpu.memory_space<hbm>>
    %dma_start3A_13 = arith.constant 0 : i32
    %dma_start3A_14 = tpu.memref_slice %arg2[%add3A_10, %dma_start3A_13] : memref<12288x1024xf32, #tpu.memory_space<hbm>> -> memref<48x1024xf32, #tpu.memory_space<hbm>>
    tpu.enqueue_dma source(%dma_start3A_14 : memref<48x1024xf32, #tpu.memory_space<hbm>>) target(%arg12 : memref<48x1024xf32, #tpu.memory_space<vmem>>) target_semaphore(%arg15 : memref<!tpu.dma_semaphore, #tpu.memory_space<semaphore_mem>>)
    %add3A_15 = arith.constant 0 : i32
    %add3A_16 = arith.addi %mul3A_2, %add3A_15 : i32
    %dma_wait3A_17 = arith.constant 0 : i32
    %dma_wait3A_18 = tpu.memref_slice %arg2[%add3A_16, %dma_wait3A_17] : memref<12288x1024xf32, #tpu.memory_space<hbm>> -> memref<48x1024xf32, #tpu.memory_space<hbm>>
    %dma_wait3A_19 = arith.constant 0 : i32
    %dma_wait3A_20 = tpu.memref_slice %arg2[%add3A_16, %dma_wait3A_19] : memref<12288x1024xf32, #tpu.memory_space<hbm>> -> memref<48x1024xf32, #tpu.memory_space<hbm>>
    tpu.wait_dma2 semaphore(%arg15 : memref<!tpu.dma_semaphore, #tpu.memory_space<semaphore_mem>>) src(%dma_wait3A_20 : memref<48x1024xf32, #tpu.memory_space<hbm>>) dst(%arg12 : memref<48x1024xf32, #tpu.memory_space<vmem>>)
    %add3A_21 = arith.constant 48 : i32
    %add3A_22 = arith.addi %mul3A_2, %add3A_21 : i32
    %dma_start3A_23 = arith.constant 0 : i32
    %dma_start3A_24 = tpu.memref_slice %arg2[%add3A_22, %dma_start3A_23] : memref<12288x1024xf32, #tpu.memory_space<hbm>> -> memref<48x1024xf32, #tpu.memory_space<hbm>>
    %dma_start3A_25 = arith.constant 0 : i32
    %dma_start3A_26 = tpu.memref_slice %arg2[%add3A_22, %dma_start3A_25] : memref<12288x1024xf32, #tpu.memory_space<hbm>> -> memref<48x1024xf32, #tpu.memory_space<hbm>>
    tpu.enqueue_dma source(%dma_start3A_26 : memref<48x1024xf32, #tpu.memory_space<hbm>>) target(%arg13 : memref<48x1024xf32, #tpu.memory_space<vmem>>) target_semaphore(%arg16 : memref<!tpu.dma_semaphore, #tpu.memory_space<semaphore_mem>>)
    %add3A_27 = arith.constant 0 : i32
    %add3A_28 = arith.addi %mul3A_2, %add3A_27 : i32
    %dma_start3A_29 = arith.constant 0 : i32
    %dma_start3A_30 = tpu.memref_slice %arg7[%add3A_28, %dma_start3A_29] : memref<12288x1024xf32, #tpu.memory_space<hbm>> -> memref<48x1024xf32, #tpu.memory_space<hbm>>
    %dma_start3A_31 = arith.constant 0 : i32
    %dma_start3A_32 = tpu.memref_slice %arg7[%add3A_28, %dma_start3A_31] : memref<12288x1024xf32, #tpu.memory_space<hbm>> -> memref<48x1024xf32, #tpu.memory_space<hbm>>
    tpu.enqueue_dma source(%arg12 : memref<48x1024xf32, #tpu.memory_space<vmem>>) target(%dma_start3A_32 : memref<48x1024xf32, #tpu.memory_space<hbm>>) target_semaphore(%arg17 : memref<!tpu.dma_semaphore, #tpu.memory_space<semaphore_mem>>)
    %add3A_33 = arith.constant 48 : i32
    %add3A_34 = arith.addi %mul3A_2, %add3A_33 : i32
    %dma_wait3A_35 = arith.constant 0 : i32
    %dma_wait3A_36 = tpu.memref_slice %arg2[%add3A_34, %dma_wait3A_35] : memref<12288x1024xf32, #tpu.memory_space<hbm>> -> memref<48x1024xf32, #tpu.memory_space<hbm>>
    %dma_wait3A_37 = arith.constant 0 : i32
    %dma_wait3A_38 = tpu.memref_slice %arg2[%add3A_34, %dma_wait3A_37] : memref<12288x1024xf32, #tpu.memory_space<hbm>> -> memref<48x1024xf32, #tpu.memory_space<hbm>>
    tpu.wait_dma2 semaphore(%arg16 : memref<!tpu.dma_semaphore, #tpu.memory_space<semaphore_mem>>) src(%dma_wait3A_38 : memref<48x1024xf32, #tpu.memory_space<hbm>>) dst(%arg13 : memref<48x1024xf32, #tpu.memory_space<vmem>>)
    %add3A_39 = arith.constant 0 : i32
    %add3A_40 = arith.addi %mul3A_2, %add3A_39 : i32
    %dma_wait3A_41 = arith.constant 0 : i32
    %dma_wait3A_42 = tpu.memref_slice %arg7[%add3A_40, %dma_wait3A_41] : memref<12288x1024xf32, #tpu.memory_space<hbm>> -> memref<48x1024xf32, #tpu.memory_space<hbm>>
    %dma_wait3A_43 = arith.constant 0 : i32
    %dma_wait3A_44 = tpu.memref_slice %arg7[%add3A_40, %dma_wait3A_43] : memref<12288x1024xf32, #tpu.memory_space<hbm>> -> memref<48x1024xf32, #tpu.memory_space<hbm>>
    tpu.wait_dma2 semaphore(%arg17 : memref<!tpu.dma_semaphore, #tpu.memory_space<semaphore_mem>>) src(%arg12 : memref<48x1024xf32, #tpu.memory_space<vmem>>) dst(%dma_wait3A_44 : memref<48x1024xf32, #tpu.memory_space<hbm>>)
    %add3A_45 = arith.constant 96 : i32
    %add3A_46 = arith.addi %mul3A_2, %add3A_45 : i32
    %dma_start3A_47 = arith.constant 0 : i32
    %dma_start3A_48 = tpu.memref_slice %arg2[%add3A_46, %dma_start3A_47] : memref<12288x1024xf32, #tpu.memory_space<hbm>> -> memref<48x1024xf32, #tpu.memory_space<hbm>>
    %dma_start3A_49 = arith.constant 0 : i32
    %dma_start3A_50 = tpu.memref_slice %arg2[%add3A_46, %dma_start3A_49] : memref<12288x1024xf32, #tpu.memory_space<hbm>> -> memref<48x1024xf32, #tpu.memory_space<hbm>>
    tpu.enqueue_dma source(%dma_start3A_50 : memref<48x1024xf32, #tpu.memory_space<hbm>>) target(%arg12 : memref<48x1024xf32, #tpu.memory_space<vmem>>) target_semaphore(%arg15 : memref<!tpu.dma_semaphore, #tpu.memory_space<semaphore_mem>>)
    %add3A_51 = arith.constant 48 : i32
    %add3A_52 = arith.addi %mul3A_2, %add3A_51 : i32
    %dma_start3A_53 = arith.constant 0 : i32
    %dma_start3A_54 = tpu.memref_slice %arg7[%add3A_52, %dma_start3A_53] : memref<12288x1024xf32, #tpu.memory_space<hbm>> -> memref<48x1024xf32, #tpu.memory_space<hbm>>
    %dma_start3A_55 = arith.constant 0 : i32
    %dma_start3A_56 = tpu.memref_slice %arg7[%add3A_52, %dma_start3A_55] : memref<12288x1024xf32, #tpu.memory_space<hbm>> -> memref<48x1024xf32, #tpu.memory_space<hbm>>
    tpu.enqueue_dma source(%arg13 : memref<48x1024xf32, #tpu.memory_space<vmem>>) target(%dma_start3A_56 : memref<48x1024xf32, #tpu.memory_space<hbm>>) target_semaphore(%arg18 : memref<!tpu.dma_semaphore, #tpu.memory_space<semaphore_mem>>)
    %add3A_57 = arith.constant 96 : i32
    %add3A_58 = arith.addi %mul3A_2, %add3A_57 : i32
    %dma_wait3A_59 = arith.constant 0 : i32
    %dma_wait3A_60 = tpu.memref_slice %arg2[%add3A_58, %dma_wait3A_59] : memref<12288x1024xf32, #tpu.memory_space<hbm>> -> memref<48x1024xf32, #tpu.memory_space<hbm>>
    %dma_wait3A_61 = arith.constant 0 : i32
    %dma_wait3A_62 = tpu.memref_slice %arg2[%add3A_58, %dma_wait3A_61] : memref<12288x1024xf32, #tpu.memory_space<hbm>> -> memref<48x1024xf32, #tpu.memory_space<hbm>>
    tpu.wait_dma2 semaphore(%arg15 : memref<!tpu.dma_semaphore, #tpu.memory_space<semaphore_mem>>) src(%dma_wait3A_62 : memref<48x1024xf32, #tpu.memory_space<hbm>>) dst(%arg12 : memref<48x1024xf32, #tpu.memory_space<vmem>>)
    %add3A_63 = arith.constant 48 : i32
    %add3A_64 = arith.addi %mul3A_2, %add3A_63 : i32
    %dma_wait3A_65 = arith.constant 0 : i32
    %dma_wait3A_66 = tpu.memref_slice %arg7[%add3A_64, %dma_wait3A_65] : memref<12288x1024xf32, #tpu.memory_space<hbm>> -> memref<48x1024xf32, #tpu.memory_space<hbm>>
    %dma_wait3A_67 = arith.constant 0 : i32
    %dma_wait3A_68 = tpu.memref_slice %arg7[%add3A_64, %dma_wait3A_67] : memref<12288x1024xf32, #tpu.memory_space<hbm>> -> memref<48x1024xf32, #tpu.memory_space<hbm>>
    tpu.wait_dma2 semaphore(%arg18 : memref<!tpu.dma_semaphore, #tpu.memory_space<semaphore_mem>>) src(%arg13 : memref<48x1024xf32, #tpu.memory_space<vmem>>) dst(%dma_wait3A_68 : memref<48x1024xf32, #tpu.memory_space<hbm>>)
    %add3A_69 = arith.constant 144 : i32
    %add3A_70 = arith.addi %mul3A_2, %add3A_69 : i32
    %dma_start3A_71 = arith.constant 0 : i32
    %dma_start3A_72 = tpu.memref_slice %arg2[%add3A_70, %dma_start3A_71] : memref<12288x1024xf32, #tpu.memory_space<hbm>> -> memref<48x1024xf32, #tpu.memory_space<hbm>>
    %dma_start3A_73 = arith.constant 0 : i32
    %dma_start3A_74 = tpu.memref_slice %arg2[%add3A_70, %dma_start3A_73] : memref<12288x1024xf32, #tpu.memory_space<hbm>> -> memref<48x1024xf32, #tpu.memory_space<hbm>>
    tpu.enqueue_dma source(%dma_start3A_74 : memref<48x1024xf32, #tpu.memory_space<hbm>>) target(%arg13 : memref<48x1024xf32, #tpu.memory_space<vmem>>) target_semaphore(%arg16 : memref<!tpu.dma_semaphore, #tpu.memory_space<semaphore_mem>>)
    %add3A_75 = arith.constant 96 : i32
    %add3A_76 = arith.addi %mul3A_2, %add3A_75 : i32
    %dma_start3A_77 = arith.constant 0 : i32
    %dma_start3A_78 = tpu.memref_slice %arg7[%add3A_76, %dma_start3A_77] : memref<12288x1024xf32, #tpu.memory_space<hbm>> -> memref<48x1024xf32, #tpu.memory_space<hbm>>
    %dma_start3A_79 = arith.constant 0 : i32
    %dma_start3A_80 = tpu.memref_slice %arg7[%add3A_76, %dma_start3A_79] : memref<12288x1024xf32, #tpu.memory_space<hbm>> -> memref<48x1024xf32, #tpu.memory_space<hbm>>
    tpu.enqueue_dma source(%arg12 : memref<48x1024xf32, #tpu.memory_space<vmem>>) target(%dma_start3A_80 : memref<48x1024xf32, #tpu.memory_space<hbm>>) target_semaphore(%arg17 : memref<!tpu.dma_semaphore, #tpu.memory_space<semaphore_mem>>)
    %add3A_81 = arith.constant 144 : i32
    %add3A_82 = arith.addi %mul3A_2, %add3A_81 : i32
    %dma_wait3A_83 = arith.constant 0 : i32
    %dma_wait3A_84 = tpu.memref_slice %arg2[%add3A_82, %dma_wait3A_83] : memref<12288x1024xf32, #tpu.memory_space<hbm>> -> memref<48x1024xf32, #tpu.memory_space<hbm>>
    %dma_wait3A_85 = arith.constant 0 : i32
    %dma_wait3A_86 = tpu.memref_slice %arg2[%add3A_82, %dma_wait3A_85] : memref<12288x1024xf32, #tpu.memory_space<hbm>> -> memref<48x1024xf32, #tpu.memory_space<hbm>>
    tpu.wait_dma2 semaphore(%arg16 : memref<!tpu.dma_semaphore, #tpu.memory_space<semaphore_mem>>) src(%dma_wait3A_86 : memref<48x1024xf32, #tpu.memory_space<hbm>>) dst(%arg13 : memref<48x1024xf32, #tpu.memory_space<vmem>>)
    %add3A_87 = arith.constant 96 : i32
    %add3A_88 = arith.addi %mul3A_2, %add3A_87 : i32
    %dma_wait3A_89 = arith.constant 0 : i32
    %dma_wait3A_90 = tpu.memref_slice %arg7[%add3A_88, %dma_wait3A_89] : memref<12288x1024xf32, #tpu.memory_space<hbm>> -> memref<48x1024xf32, #tpu.memory_space<hbm>>
    %dma_wait3A_91 = arith.constant 0 : i32
    %dma_wait3A_92 = tpu.memref_slice %arg7[%add3A_88, %dma_wait3A_91] : memref<12288x1024xf32, #tpu.memory_space<hbm>> -> memref<48x1024xf32, #tpu.memory_space<hbm>>
    tpu.wait_dma2 semaphore(%arg17 : memref<!tpu.dma_semaphore, #tpu.memory_space<semaphore_mem>>) src(%arg12 : memref<48x1024xf32, #tpu.memory_space<vmem>>) dst(%dma_wait3A_92 : memref<48x1024xf32, #tpu.memory_space<hbm>>)
    %add3A_93 = arith.constant 192 : i32
    %add3A_94 = arith.addi %mul3A_2, %add3A_93 : i32
    %dma_start3A_95 = arith.constant 0 : i32
    %dma_start3A_96 = tpu.memref_slice %arg2[%add3A_94, %dma_start3A_95] : memref<12288x1024xf32, #tpu.memory_space<hbm>> -> memref<48x1024xf32, #tpu.memory_space<hbm>>
    %dma_start3A_97 = arith.constant 0 : i32
    %dma_start3A_98 = tpu.memref_slice %arg2[%add3A_94, %dma_start3A_97] : memref<12288x1024xf32, #tpu.memory_space<hbm>> -> memref<48x1024xf32, #tpu.memory_space<hbm>>
    tpu.enqueue_dma source(%dma_start3A_98 : memref<48x1024xf32, #tpu.memory_space<hbm>>) target(%arg12 : memref<48x1024xf32, #tpu.memory_space<vmem>>) target_semaphore(%arg15 : memref<!tpu.dma_semaphore, #tpu.memory_space<semaphore_mem>>)
    %add3A_99 = arith.constant 144 : i32
    %add3A_100 = arith.addi %mul3A_2, %add3A_99 : i32
    %dma_start3A_101 = arith.constant 0 : i32
    %dma_start3A_102 = tpu.memref_slice %arg7[%add3A_100, %dma_start3A_101] : memref<12288x1024xf32, #tpu.memory_space<hbm>> -> memref<48x1024xf32, #tpu.memory_space<hbm>>
    %dma_start3A_103 = arith.constant 0 : i32
    %dma_start3A_104 = tpu.memref_slice %arg7[%add3A_100, %dma_start3A_103] : memref<12288x1024xf32, #tpu.memory_space<hbm>> -> memref<48x1024xf32, #tpu.memory_space<hbm>>
    tpu.enqueue_dma source(%arg13 : memref<48x1024xf32, #tpu.memory_space<vmem>>) target(%dma_start3A_104 : memref<48x1024xf32, #tpu.memory_space<hbm>>) target_semaphore(%arg18 : memref<!tpu.dma_semaphore, #tpu.memory_space<semaphore_mem>>)
    %add3A_105 = arith.constant 192 : i32
    %add3A_106 = arith.addi %mul3A_2, %add3A_105 : i32
    %dma_wait3A_107 = arith.constant 0 : i32
    %dma_wait3A_108 = tpu.memref_slice %arg2[%add3A_106, %dma_wait3A_107] : memref<12288x1024xf32, #tpu.memory_space<hbm>> -> memref<48x1024xf32, #tpu.memory_space<hbm>>
    %dma_wait3A_109 = arith.constant 0 : i32
    %dma_wait3A_110 = tpu.memref_slice %arg2[%add3A_106, %dma_wait3A_109] : memref<12288x1024xf32, #tpu.memory_space<hbm>> -> memref<48x1024xf32, #tpu.memory_space<hbm>>
    tpu.wait_dma2 semaphore(%arg15 : memref<!tpu.dma_semaphore, #tpu.memory_space<semaphore_mem>>) src(%dma_wait3A_110 : memref<48x1024xf32, #tpu.memory_space<hbm>>) dst(%arg12 : memref<48x1024xf32, #tpu.memory_space<vmem>>)
    %add3A_111 = arith.constant 144 : i32
    %add3A_112 = arith.addi %mul3A_2, %add3A_111 : i32
    %dma_wait3A_113 = arith.constant 0 : i32
    %dma_wait3A_114 = tpu.memref_slice %arg7[%add3A_112, %dma_wait3A_113] : memref<12288x1024xf32, #tpu.memory_space<hbm>> -> memref<48x1024xf32, #tpu.memory_space<hbm>>
    %dma_wait3A_115 = arith.constant 0 : i32
    %dma_wait3A_116 = tpu.memref_slice %arg7[%add3A_112, %dma_wait3A_115] : memref<12288x1024xf32, #tpu.memory_space<hbm>> -> memref<48x1024xf32, #tpu.memory_space<hbm>>
    tpu.wait_dma2 semaphore(%arg18 : memref<!tpu.dma_semaphore, #tpu.memory_space<semaphore_mem>>) src(%arg13 : memref<48x1024xf32, #tpu.memory_space<vmem>>) dst(%dma_wait3A_116 : memref<48x1024xf32, #tpu.memory_space<hbm>>)
    %add3A_117 = arith.constant 240 : i32
    %add3A_118 = arith.addi %mul3A_2, %add3A_117 : i32
    %dma_start3A_119 = arith.constant 0 : i32
    %dma_start3A_120 = tpu.memref_slice %arg2[%add3A_118, %dma_start3A_119] : memref<12288x1024xf32, #tpu.memory_space<hbm>> -> memref<48x1024xf32, #tpu.memory_space<hbm>>
    %dma_start3A_121 = arith.constant 0 : i32
    %dma_start3A_122 = tpu.memref_slice %arg2[%add3A_118, %dma_start3A_121] : memref<12288x1024xf32, #tpu.memory_space<hbm>> -> memref<48x1024xf32, #tpu.memory_space<hbm>>
    tpu.enqueue_dma source(%dma_start3A_122 : memref<48x1024xf32, #tpu.memory_space<hbm>>) target(%arg13 : memref<48x1024xf32, #tpu.memory_space<vmem>>) target_semaphore(%arg16 : memref<!tpu.dma_semaphore, #tpu.memory_space<semaphore_mem>>)
    %add3A_123 = arith.constant 192 : i32
    %add3A_124 = arith.addi %mul3A_2, %add3A_123 : i32
    %dma_start3A_125 = arith.constant 0 : i32
    %dma_start3A_126 = tpu.memref_slice %arg7[%add3A_124, %dma_start3A_125] : memref<12288x1024xf32, #tpu.memory_space<hbm>> -> memref<48x1024xf32, #tpu.memory_space<hbm>>
    %dma_start3A_127 = arith.constant 0 : i32
    %dma_start3A_128 = tpu.memref_slice %arg7[%add3A_124, %dma_start3A_127] : memref<12288x1024xf32, #tpu.memory_space<hbm>> -> memref<48x1024xf32, #tpu.memory_space<hbm>>
    tpu.enqueue_dma source(%arg12 : memref<48x1024xf32, #tpu.memory_space<vmem>>) target(%dma_start3A_128 : memref<48x1024xf32, #tpu.memory_space<hbm>>) target_semaphore(%arg17 : memref<!tpu.dma_semaphore, #tpu.memory_space<semaphore_mem>>)
    %add3A_129 = arith.constant 240 : i32
    %add3A_130 = arith.addi %mul3A_2, %add3A_129 : i32
    %dma_wait3A_131 = arith.constant 0 : i32
    %dma_wait3A_132 = tpu.memref_slice %arg2[%add3A_130, %dma_wait3A_131] : memref<12288x1024xf32, #tpu.memory_space<hbm>> -> memref<48x1024xf32, #tpu.memory_space<hbm>>
    %dma_wait3A_133 = arith.constant 0 : i32
    %dma_wait3A_134 = tpu.memref_slice %arg2[%add3A_130, %dma_wait3A_133] : memref<12288x1024xf32, #tpu.memory_space<hbm>> -> memref<48x1024xf32, #tpu.memory_space<hbm>>
    tpu.wait_dma2 semaphore(%arg16 : memref<!tpu.dma_semaphore, #tpu.memory_space<semaphore_mem>>) src(%dma_wait3A_134 : memref<48x1024xf32, #tpu.memory_space<hbm>>) dst(%arg13 : memref<48x1024xf32, #tpu.memory_space<vmem>>)
    %add3A_135 = arith.constant 192 : i32
    %add3A_136 = arith.addi %mul3A_2, %add3A_135 : i32
    %dma_wait3A_137 = arith.constant 0 : i32
    %dma_wait3A_138 = tpu.memref_slice %arg7[%add3A_136, %dma_wait3A_137] : memref<12288x1024xf32, #tpu.memory_space<hbm>> -> memref<48x1024xf32, #tpu.memory_space<hbm>>
    %dma_wait3A_139 = arith.constant 0 : i32
    %dma_wait3A_140 = tpu.memref_slice %arg7[%add3A_136, %dma_wait3A_139] : memref<12288x1024xf32, #tpu.memory_space<hbm>> -> memref<48x1024xf32, #tpu.memory_space<hbm>>
    tpu.wait_dma2 semaphore(%arg17 : memref<!tpu.dma_semaphore, #tpu.memory_space<semaphore_mem>>) src(%arg12 : memref<48x1024xf32, #tpu.memory_space<vmem>>) dst(%dma_wait3A_140 : memref<48x1024xf32, #tpu.memory_space<hbm>>)
    %add3A_141 = arith.constant 288 : i32
    %add3A_142 = arith.addi %mul3A_2, %add3A_141 : i32
    %dma_start3A_143 = arith.constant 0 : i32
    %dma_start3A_144 = tpu.memref_slice %arg2[%add3A_142, %dma_start3A_143] : memref<12288x1024xf32, #tpu.memory_space<hbm>> -> memref<48x1024xf32, #tpu.memory_space<hbm>>
    %dma_start3A_145 = arith.constant 0 : i32
    %dma_start3A_146 = tpu.memref_slice %arg2[%add3A_142, %dma_start3A_145] : memref<12288x1024xf32, #tpu.memory_space<hbm>> -> memref<48x1024xf32, #tpu.memory_space<hbm>>
    tpu.enqueue_dma source(%dma_start3A_146 : memref<48x1024xf32, #tpu.memory_space<hbm>>) target(%arg12 : memref<48x1024xf32, #tpu.memory_space<vmem>>) target_semaphore(%arg15 : memref<!tpu.dma_semaphore, #tpu.memory_space<semaphore_mem>>)
    %add3A_147 = arith.constant 240 : i32
    %add3A_148 = arith.addi %mul3A_2, %add3A_147 : i32
    %dma_start3A_149 = arith.constant 0 : i32
    %dma_start3A_150 = tpu.memref_slice %arg7[%add3A_148, %dma_start3A_149] : memref<12288x1024xf32, #tpu.memory_space<hbm>> -> memref<48x1024xf32, #tpu.memory_space<hbm>>
    %dma_start3A_151 = arith.constant 0 : i32
    %dma_start3A_152 = tpu.memref_slice %arg7[%add3A_148, %dma_start3A_151] : memref<12288x1024xf32, #tpu.memory_space<hbm>> -> memref<48x1024xf32, #tpu.memory_space<hbm>>
    tpu.enqueue_dma source(%arg13 : memref<48x1024xf32, #tpu.memory_space<vmem>>) target(%dma_start3A_152 : memref<48x1024xf32, #tpu.memory_space<hbm>>) target_semaphore(%arg18 : memref<!tpu.dma_semaphore, #tpu.memory_space<semaphore_mem>>)
    %add3A_153 = arith.constant 288 : i32
    %add3A_154 = arith.addi %mul3A_2, %add3A_153 : i32
    %dma_wait3A_155 = arith.constant 0 : i32
    %dma_wait3A_156 = tpu.memref_slice %arg2[%add3A_154, %dma_wait3A_155] : memref<12288x1024xf32, #tpu.memory_space<hbm>> -> memref<48x1024xf32, #tpu.memory_space<hbm>>
    %dma_wait3A_157 = arith.constant 0 : i32
    %dma_wait3A_158 = tpu.memref_slice %arg2[%add3A_154, %dma_wait3A_157] : memref<12288x1024xf32, #tpu.memory_space<hbm>> -> memref<48x1024xf32, #tpu.memory_space<hbm>>
    tpu.wait_dma2 semaphore(%arg15 : memref<!tpu.dma_semaphore, #tpu.memory_space<semaphore_mem>>) src(%dma_wait3A_158 : memref<48x1024xf32, #tpu.memory_space<hbm>>) dst(%arg12 : memref<48x1024xf32, #tpu.memory_space<vmem>>)
    %add3A_159 = arith.constant 240 : i32
    %add3A_160 = arith.addi %mul3A_2, %add3A_159 : i32
    %dma_wait3A_161 = arith.constant 0 : i32
    %dma_wait3A_162 = tpu.memref_slice %arg7[%add3A_160, %dma_wait3A_161] : memref<12288x1024xf32, #tpu.memory_space<hbm>> -> memref<48x1024xf32, #tpu.memory_space<hbm>>
    %dma_wait3A_163 = arith.constant 0 : i32
    %dma_wait3A_164 = tpu.memref_slice %arg7[%add3A_160, %dma_wait3A_163] : memref<12288x1024xf32, #tpu.memory_space<hbm>> -> memref<48x1024xf32, #tpu.memory_space<hbm>>
    tpu.wait_dma2 semaphore(%arg18 : memref<!tpu.dma_semaphore, #tpu.memory_space<semaphore_mem>>) src(%arg13 : memref<48x1024xf32, #tpu.memory_space<vmem>>) dst(%dma_wait3A_164 : memref<48x1024xf32, #tpu.memory_space<hbm>>)
    %add3A_165 = arith.constant 336 : i32
    %add3A_166 = arith.addi %mul3A_2, %add3A_165 : i32
    %dma_start3A_167 = arith.constant 0 : i32
    %dma_start3A_168 = tpu.memref_slice %arg2[%add3A_166, %dma_start3A_167] : memref<12288x1024xf32, #tpu.memory_space<hbm>> -> memref<48x1024xf32, #tpu.memory_space<hbm>>
    %dma_start3A_169 = arith.constant 0 : i32
    %dma_start3A_170 = tpu.memref_slice %arg2[%add3A_166, %dma_start3A_169] : memref<12288x1024xf32, #tpu.memory_space<hbm>> -> memref<48x1024xf32, #tpu.memory_space<hbm>>
    tpu.enqueue_dma source(%dma_start3A_170 : memref<48x1024xf32, #tpu.memory_space<hbm>>) target(%arg13 : memref<48x1024xf32, #tpu.memory_space<vmem>>) target_semaphore(%arg16 : memref<!tpu.dma_semaphore, #tpu.memory_space<semaphore_mem>>)
    %add3A_171 = arith.constant 288 : i32
    %add3A_172 = arith.addi %mul3A_2, %add3A_171 : i32
    %dma_start3A_173 = arith.constant 0 : i32
    %dma_start3A_174 = tpu.memref_slice %arg7[%add3A_172, %dma_start3A_173] : memref<12288x1024xf32, #tpu.memory_space<hbm>> -> memref<48x1024xf32, #tpu.memory_space<hbm>>
    %dma_start3A_175 = arith.constant 0 : i32
    %dma_start3A_176 = tpu.memref_slice %arg7[%add3A_172, %dma_start3A_175] : memref<12288x1024xf32, #tpu.memory_space<hbm>> -> memref<48x1024xf32, #tpu.memory_space<hbm>>
    tpu.enqueue_dma source(%arg12 : memref<48x1024xf32, #tpu.memory_space<vmem>>) target(%dma_start3A_176 : memref<48x1024xf32, #tpu.memory_space<hbm>>) target_semaphore(%arg17 : memref<!tpu.dma_semaphore, #tpu.memory_space<semaphore_mem>>)
    %add3A_177 = arith.constant 336 : i32
    %add3A_178 = arith.addi %mul3A_2, %add3A_177 : i32
    %dma_wait3A_179 = arith.constant 0 : i32
    %dma_wait3A_180 = tpu.memref_slice %arg2[%add3A_178, %dma_wait3A_179] : memref<12288x1024xf32, #tpu.memory_space<hbm>> -> memref<48x1024xf32, #tpu.memory_space<hbm>>
    %dma_wait3A_181 = arith.constant 0 : i32
    %dma_wait3A_182 = tpu.memref_slice %arg2[%add3A_178, %dma_wait3A_181] : memref<12288x1024xf32, #tpu.memory_space<hbm>> -> memref<48x1024xf32, #tpu.memory_space<hbm>>
    tpu.wait_dma2 semaphore(%arg16 : memref<!tpu.dma_semaphore, #tpu.memory_space<semaphore_mem>>) src(%dma_wait3A_182 : memref<48x1024xf32, #tpu.memory_space<hbm>>) dst(%arg13 : memref<48x1024xf32, #tpu.memory_space<vmem>>)
    %add3A_183 = arith.constant 288 : i32
    %add3A_184 = arith.addi %mul3A_2, %add3A_183 : i32
    %dma_wait3A_185 = arith.constant 0 : i32
    %dma_wait3A_186 = tpu.memref_slice %arg7[%add3A_184, %dma_wait3A_185] : memref<12288x1024xf32, #tpu.memory_space<hbm>> -> memref<48x1024xf32, #tpu.memory_space<hbm>>
    %dma_wait3A_187 = arith.constant 0 : i32
    %dma_wait3A_188 = tpu.memref_slice %arg7[%add3A_184, %dma_wait3A_187] : memref<12288x1024xf32, #tpu.memory_space<hbm>> -> memref<48x1024xf32, #tpu.memory_space<hbm>>
    tpu.wait_dma2 semaphore(%arg17 : memref<!tpu.dma_semaphore, #tpu.memory_space<semaphore_mem>>) src(%arg12 : memref<48x1024xf32, #tpu.memory_space<vmem>>) dst(%dma_wait3A_188 : memref<48x1024xf32, #tpu.memory_space<hbm>>)
    %add3A_189 = arith.constant 336 : i32
    %add3A_190 = arith.addi %mul3A_2, %add3A_189 : i32
    %dma_start3A_191 = arith.constant 0 : i32
    %dma_start3A_192 = tpu.memref_slice %arg7[%add3A_190, %dma_start3A_191] : memref<12288x1024xf32, #tpu.memory_space<hbm>> -> memref<48x1024xf32, #tpu.memory_space<hbm>>
    %dma_start3A_193 = arith.constant 0 : i32
    %dma_start3A_194 = tpu.memref_slice %arg7[%add3A_190, %dma_start3A_193] : memref<12288x1024xf32, #tpu.memory_space<hbm>> -> memref<48x1024xf32, #tpu.memory_space<hbm>>
    tpu.enqueue_dma source(%arg13 : memref<48x1024xf32, #tpu.memory_space<vmem>>) target(%dma_start3A_194 : memref<48x1024xf32, #tpu.memory_space<hbm>>) target_semaphore(%arg18 : memref<!tpu.dma_semaphore, #tpu.memory_space<semaphore_mem>>)
    %add3A_195 = arith.constant 336 : i32
    %add3A_196 = arith.addi %mul3A_2, %add3A_195 : i32
    %dma_wait3A_197 = arith.constant 0 : i32
    %dma_wait3A_198 = tpu.memref_slice %arg7[%add3A_196, %dma_wait3A_197] : memref<12288x1024xf32, #tpu.memory_space<hbm>> -> memref<48x1024xf32, #tpu.memory_space<hbm>>
    %dma_wait3A_199 = arith.constant 0 : i32
    %dma_wait3A_200 = tpu.memref_slice %arg7[%add3A_196, %dma_wait3A_199] : memref<12288x1024xf32, #tpu.memory_space<hbm>> -> memref<48x1024xf32, #tpu.memory_space<hbm>>
    tpu.wait_dma2 semaphore(%arg18 : memref<!tpu.dma_semaphore, #tpu.memory_space<semaphore_mem>>) src(%arg13 : memref<48x1024xf32, #tpu.memory_space<vmem>>) dst(%dma_wait3A_200 : memref<48x1024xf32, #tpu.memory_space<hbm>>)
    return
  }
}

</mosaic_0001>

<sc_bundles>
// kernel: kernel.3.cloned.1.call-start
scs
__scs_entry_jumppad:
0x0: {  	(pc) =	sbr.rel $0x88, $3  }
0x1: {  	(tag) =	ssettag $0x0;
	lr =	simm.s32 $0x1  }
0x2: {  	[smem:$0x3F9C] =	sst lr;
	_ =	strace $0xD0000000  }
0x3: {  	_ = 	snop  }
0x4: {  	_ = 	snop  }
0x5: {  	_ = 	snop  }
0x6: {  	_ = 	snop  }
0x7: {  	_ = 	snop  }
__scs_overlays_trampoline_lowered:
0x8: {  	[smem:$0x3FAB] =	sst s0  }
0x9: {  	[smem:$0x3FAC] =	sst s1  }
0xa: {  	[smem:$0x3FAD] =	sst s2  }
0xb: {  	[smem:$0x3FAE] =	sst s3  }
0xc: {  	[smem:$0x3FAF] =	sst s4  }
0xd: {  	[smem:$0x3FB0] =	sst s5  }
0xe: {  	[smem:$0x3FB1] =	sst s6  }
0xf: {  	[smem:$0x3FB2] =	sst s7  }
0x10: {  	[smem:$0x3FB3] =	sst s8  }
0x11: {  	[smem:$0x3FB4] =	sst s9;
	s0 =	simm.s32 @!p0 $0x0  }
0x12: {  	s1 =	sld [smem:$0x3F9A];
	s0 =	simm.s32 @p0 $0x1  }
0x13: {  	[smem:$0x3FB5] =	sst s0;
	s0 =	simm.s32 @!p1 $0x0  }
0x14: {  	s2 =	sld [smem:$0x3F99];
	s0 =	simm.s32 @p1 $0x1  }
0x15: {  	[smem:$0x3FB6] =	sst s0;
	s0 =	simm.s32 @!p2 $0x0  }
0x16: {  	s3 =	sld [smem:$0x3FDB];
	s0 =	simm.s32 @p2 $0x1  }
0x17: {  	s4 =	simm.s32 $0x1BF5;
	[smem:$0x3FB8] =	sst s0  }
0x18: {  	s0 =	sld [smem:$0x3F9B];
	_ =	swait.ge [sflag:s4], $0x0  }
0x19: {  	s7 =	sld [smem:$0x3F9C]  }
0x1a: {  	s8 =	sadd.s32 $0xFFFFE003, lr  }
0x1b: {  	s9 =	sadd.s32 $0xFFFFFEF7, lr;
	s5 =	simm.s32 $0xFFFFFFFF;
	p2 =	slt.u32 s8, $0xFFFFF086  }
0x1c: {  	p1 =	slt.u32 s9, $0xF7A;
	s5 =	simm.s32 @!p2 $0x0  }
0x1d: {  	s5 =	simm.s32 @p1 $0x1;
	p0 =	seq.s32 s7, s2  }
0x1e: {  	s7 =	smul.u32 @!p0 $0xF7A, s2;
	p2 =	seq.s32 @!p0 s5, $0x0  }
0x1f: {  	s9 =	smul.u32 $0xF7A, s1;
	s8 =	simm.s32 @!p0 $0x1BF5;
	p2 =	por !p2, p0  }
0x20: {  	[sflag:s8] =	ssyncset.s32 @!p0 $0xFFFFF086;
	s6 =	sadd.s32 @!p0 s3, s7;
	s7 =	simm.s32 @!p0 $0x108  }
0x21: {  	s3 =	sadd.s32 s3, s9;
	s6 =	sadd.s32 @!p0 $0x88, s6;
	s7 =	simm.s32 @p2 $0x1082  }
0x22: {  	[simem:s7], [sflag:s8] =	dma.local @!p0 [hbm:s6], $0xF7A  }
0x23: {  	s9 =	sor.u32 $0xD0000000, s2;
	s6 =	simm.s32 $0x108;
	_ =	swait.ge @!p0 [sflag:s8], $0x0  }
0x24: {  	s3 =	sadd.s32 $0x88, s3;
	s6 =	simm.s32 @!p1 $0x1082;
	[sflag:s4] =	ssyncset.s32 $0xFFFFF086  }
0x25: {  	[simem:s6], [sflag:s4] =	dma.local [hbm:s3], $0xF7A  }
0x26: {  	[smem:$0x3F9C] =	sst s1;
	(tag) =	ssettag s2;
	_ =	strace s9  }
0x27: {  	s1 =	sld [smem:$0x3FAC]  }
0x28: {  	s2 =	sld [smem:$0x3FAD]  }
0x29: {  	s4 =	sld [smem:$0x3FAF]  }
0x2a: {  	p0 =	seq.s32 s5, $0x0;
	s5 =	sld [smem:$0x3FB0]  }
0x2b: {  	s6 =	sld [smem:$0x3FB1]  }
0x2c: {  	s7 =	sld [smem:$0x3FB2]  }
0x2d: {  	s3 =	simm.s32 $0x108;
	s8 =	sld [smem:$0x3FB3]  }
0x2e: {  	s3 =	simm.s32 @!p0 $0x1082;
	s9 =	sld [smem:$0x3FB4]  }
0x2f: {  	lr =	sadd.s32 s0, s3;
	s0 =	sld [smem:$0x3FAB]  }
0x30: {  	s3 =	sld [smem:$0x3FAE]  }
0x31: {  	[smem:$0x3FB7] =	sst s10  }
0x32: {  	s10 =	sld [smem:$0x3FB5];
	_ =	sdelay $0x3  }
0x33: {  	p0 =	seq.s32 s10, $0x1;
	s10 =	sld [smem:$0x3FB7];
	_ =	sdelay $0x3  }
0x34: {  	[smem:$0x3FB7] =	sst s10  }
0x35: {  	s10 =	sld [smem:$0x3FB6];
	_ =	sdelay $0x3  }
0x36: {  	p1 =	seq.s32 s10, $0x1;
	s10 =	sld [smem:$0x3FB7];
	_ =	sdelay $0x3  }
0x37: {  	[smem:$0x3FB7] =	sst s10  }
0x38: {  	s10 =	sld [smem:$0x3FB8]  }
0x39: {  	_ = 	snop;
	(pc) =	sbr.ind lr, $3  }
0x3a: {  	_ = 	snop  }
0x3b: {  	_ = 	snop  }
0x3c: {  	p2 =	seq.s32 s10, $0x1;
	s10 =	sld [smem:$0x3FB7]  }
0x3d: {  	_ =	shalt  }
0x3e: {  	_ =	shalt  }
0x3f: {  	_ =	shalt  }
0x40: {  	_ =	shalt  }
0x41: {  	_ =	shalt  }
0x42: {  	_ =	shalt  }
0x43: {  	_ =	shalt  }
0x44: {  	_ =	shalt  }
0x45: {  	_ =	shalt  }
0x46: {  	_ =	shalt  }
0x47: {  	_ =	shalt  }
0x48: {  	_ =	shalt  }
0x49: {  	_ =	shalt  }
0x4a: {  	_ =	shalt  }
0x4b: {  	_ =	shalt  }
0x4c: {  	_ =	shalt  }
0x4d: {  	_ =	shalt  }
0x4e: {  	_ =	shalt  }
0x4f: {  	_ =	shalt  }
0x50: {  	_ =	shalt  }
0x51: {  	_ =	shalt  }
0x52: {  	_ =	shalt  }
0x53: {  	_ =	shalt  }
0x54: {  	_ =	shalt  }
0x55: {  	_ =	shalt  }
0x56: {  	_ =	shalt  }
0x57: {  	_ =	shalt  }
0x58: {  	_ =	shalt  }
0x59: {  	_ =	shalt  }
0x5a: {  	_ =	shalt  }
0x5b: {  	_ =	shalt  }
0x5c: {  	_ =	shalt  }
0x5d: {  	_ =	shalt  }
0x5e: {  	_ =	shalt  }
0x5f: {  	_ =	shalt  }
0x60: {  	_ =	shalt  }
0x61: {  	_ =	shalt  }
0x62: {  	_ =	shalt  }
0x63: {  	_ =	shalt  }
0x64: {  	_ =	shalt  }
0x65: {  	_ =	shalt  }
0x66: {  	_ =	shalt  }
0x67: {  	_ =	shalt  }
0x68: {  	_ =	shalt  }
0x69: {  	_ =	shalt  }
0x6a: {  	_ =	shalt  }
0x6b: {  	_ =	shalt  }
0x6c: {  	_ =	shalt  }
0x6d: {  	_ =	shalt  }
0x6e: {  	_ =	shalt  }
0x6f: {  	_ =	shalt  }
0x70: {  	_ =	shalt  }
0x71: {  	_ =	shalt  }
0x72: {  	_ =	shalt  }
0x73: {  	_ =	shalt  }
0x74: {  	_ =	shalt  }
0x75: {  	_ =	shalt  }
0x76: {  	_ =	shalt  }
0x77: {  	_ =	shalt  }
0x78: {  	_ =	shalt  }
0x79: {  	_ =	shalt  }
0x7a: {  	_ =	shalt  }
0x7b: {  	_ =	shalt  }
0x7c: {  	_ =	shalt  }
0x7d: {  	_ =	shalt  }
0x7e: {  	_ =	shalt  }
0x7f: {  	_ =	shalt  }
0x80: {  	_ =	shalt  }
0x81: {  	_ =	shalt  }
0x82: {  	_ =	shalt  }
0x83: {  	_ =	shalt  }
0x84: {  	_ =	shalt  }
0x85: {  	_ =	shalt  }
0x86: {  	_ =	shalt  }
0x87: {  	_ =	shalt  }
.Lfunc_end0:
.L_simem_size_0:
called_computation_lowered:
.L_overlay_start_0:
0x88: {  	s2 =	sld [smem:$0x3FD9]  }
0x89: {  	s3 =	sld [smem:$0x3FFE];
	_ =	sdelay $0x1  }
0x8a: {  	s1 =	srdreg.scid  }
0x8b: {  	s0 =	sand.u32 $0x1, s1  }
0x8c: {  	s17 =	sshll.u32 s0, $0xA;
	s2 =	sadd.s32 s3, s2  }
0x8d: {  	s2 =	sadd.s32 s2, s17  }
0x8e: {  	[smem:$0x3FC3] =	sst s2  }
0x8f: {  	_ = 	snop  }
0x90: {  	s2 =	sld [smem:$0x3FC9]  }
0x91: {  	s18 =	sld [smem:$0x3FC7]  }
0x92: {  	s4 =	sld [smem:$0x3FC6]  }
0x93: {  	s5 =	sld [smem:$0x3FC5]  }
0x94: {  	s6 =	sld [smem:$0x3FD0];
	(tm) =	ssettm $0x1  }
0x95: {  	s7 =	sld [smem:$0x3FFB];
	_ =	sdelay $0x3  }
0x96: {  	_ =	strace s7  }
0x97: {  	s7 =	sld [smem:$0x3FFC];
	_ =	sdelay $0x3  }
0x98: {  	_ =	strace s7  }
0x99: {  	s7 =	sld [smem:$0x3FFD];
	_ =	sdelay $0x3  }
0x9a: {  	_ =	strace s7  }
0x9b: {  	_ =	strace $0x8FFFFFFF  }
0x9c: {  	s19 =	sld [smem:$0x3FDB];
	_ =	sdelay $0x1  }
0x9d: {  	s8 =	simm.s32 $_scs_section_size  }
0x9e: {  	s9 =	simm.s32 $_size__tile_overlayer_lowered;
	s10 =	simm.s32 $_tile_overlayer_lowered  }
0x9f: {  	s22 =	simm.s32 $0x1BFF;
	s21 =	sshll.u32 s10, $0x1;
	s7 =	sadd.s32 s8, s19  }
0xa0: {  	s11 =	simm.s32 $0x0;
	s20 =	sshll.u32 s9, $0x1;
	s9 =	sadd.s32 s21, s7  }
0xa1: {  	[timem:s11], [sflag:s22] =	dma.local [hbm:s9], s20  }
0xa2: {  	_ =	swait.ge [sflag:s22], s20  }
0xa3: {  	s8 =	ssub.s32 $0x0, s20;
	[sflag:s22] =	ssyncset.done $0x0  }
0xa4: {  	[sflag:s22] =	ssyncadd.s32 s8;
	_ =	sdelay $0x1  }
0xa5: {  	s23 =	simm.s32 $0x1B8B  }
0xa6: {  	_ =	swait.ge [sflag:s23], $0x1  }
0xa7: {  	[sflag:s23] =	ssyncset.done $0x0  }
0xa8: {  	s25 =	simm.s32 $0x1B8E;
	s24 =	sld [smem:$0x3FFE];
	[sflag:s23] =	ssyncadd.s32 $0xFFFFFFFF  }
0xa9: {  	s26 =	simm.s32 $execute0_lowered;
	[smem:$0x3FD2] =	sst s25  }
0xaa: {  	s9 =	sshll.u32 s26, $0x1;
	_ =	strace $0x80000046;
	[dreg:$0x1] =	wrdreg $0xFFFFFFFF  }
0xab: {  	s28 =	simm.s32 $_size_execute0_lowered;
	s7 =	sadd.s32 s7, s9;
	[dreg:$0x0] =	wrdreg $0x0  }
0xac: {  	s9 =	sshll.u32 s28, $0x1;
	[dreg:$0x2] =	wrdreg s7  }
0xad: {  	[dreg:$0x3] =	wrdreg s9  }
0xae: {  	[dreg:$0x4] =	wrdreg $0xC0  }
0xaf: {  	_ =	task [dreg:s11], $0x5FFFF  }
0xb0: {  	[dreg:$0x1] =	wrdreg $0xFFFFFFFF  }
0xb1: {  	[dreg:$0x0] =	wrdreg $0x60  }
0xb2: {  	[dreg:$0x2] =	wrdreg s2  }
0xb3: {  	[dreg:$0x3] =	wrdreg s24  }
0xb4: {  	[dreg:$0x4] =	wrdreg s18  }
0xb5: {  	[dreg:$0x5] =	wrdreg s4  }
0xb6: {  	[dreg:$0x6] =	wrdreg s5  }
0xb7: {  	[dreg:$0x7] =	wrdreg s6  }
0xb8: {  	[dreg:$0x8] =	wrdreg $0x9  }
0xb9: {  	_ =	task.clear_ibuf [dreg:s11], $0x9FFFF;
	_ =	strace $0x90000046  }
0xba: {  	s29 =	simm.s32 $0x9;
	_ =	strace $0x80000048  }
0xbb: {  	_ =	swait.ge [sflag:s29], $0x1  }
0xbc: {  	[sflag:s29] =	ssyncadd.s32 $0xFFFFFFFF  }
0xbd: {  	_ =	strace $0x90000048  }
0xbe: {  	_ =	sfence  }
0xbf: {  	s30 =	sld [smem:$0x0];
	_ =	sdelay $0x2  }
0xc0: {  	s31 =	sshll.u32 s1, $0xD;
	s1 =	sshrl.u32 s1, $0x2  }
0xc1: {  	s3 =	sand.u32 $0x4000, s31;
	s1 =	sadd.s32 s1, s30  }
0xc2: {  	s0 =	sor.u32 s3, s0;
	s1 =	sshll.u32 s1, $0x11  }
0xc3: {  	s0 =	sor.u32 s1, s0  }
0xc4: {  	s0 =	sadd.s32 $0x8F2B, s0  }
0xc5: {  	[sflag:s0] =	ssyncadd.remote.s32 $0x1  }
0xc6: {  	_ =	sfence.sel $0xFFFF  }
0xc7: {  	[dreg:$0x0] =	wrdreg $0xFFFFFFFF;
	(pc) =	sbr.abs _section_cstart, $3  }
0xc8: {  	[dreg:$0x1] =	wrdreg $0xFFFFFFFF  }
0xc9: {  	_ =	task.clear_ibuf [dreg:s11], $0x2FFFF;
	_ =	strace $0x9FFFFFFF  }
0xca: {  	(tm) =	ssettm $0x7FFFFFFF  }
0xcb: {  	_ =	shalt  }
tec
execute0_lowered:
.L_overlay_start_1:
0x0: {  	(tag) =	ssettag $0x1  }
0x1: {  	s1 =	rddreg [dreg:$0x0]  }
0x2: {  	s4 =	rddreg [dreg:$0x1]  }
0x3: {  	s0 =	rddreg [dreg:$0x2]  }
0x4: {  	s16 =	rddreg [dreg:$0x3];
	s2 =	srdreg.scid  }
0x5: {  	s17 =	stileid.u32;
	s14 =	rddreg [dreg:$0x5]  }
0x6: {  	s28 =	simm.s32 $0x2;
	s29 =	simm.s32 $0x11080;
	[dreg:$0x7] =	wrdreg s0  }
0x7: {  	s30 =	simm.s32 $0x3;
	[dreg:$0x8] =	wrdreg s16;
	s5 =	sand.u32 $0x1, s2  }
0x8: {  	s31 =	simm.s32 $0x4;
	s2 =	rddreg [dreg:$0x4];
	s3 =	sshll.u32 s5, $0x4  }
0x9: {  	s5 =	ssub.s32 $0x2, s5;
	s6 =	sor.u32 s17, s3;
	s3 =	simm.s32 $0x0  }
0xa: {  	s18 =	sshrl.u32 s5, $0x1;
	s17 =	simm.s32 $0x6;
	s7 =	smul.u32 $0x6, s6  }
0xb: {  	[smem:$0x7FF] =	sst s3;
	s8 =	smul.u32 $0xC000, s6;
	s15 =	ssub.s32 s5, s18  }
0xc: {  	s6 =	smul.u32 $0x60000, s6;
	s18 =	simm.s32 $0x3080;
	_ =	strace $0x80000047  }
0xd: {  	s15 =	smax.u32 s15, $0x1;
	s4 =	sadd.s32 s7, s4;
	s19 =	sadd.s32 s1, s8  }
0xe: {  	s20 =	sor.u32 $0x1800, s8;
	s22 =	sadd.s32 s14, s8;
	s23 =	sor.u32 $0x3000, s8  }
0xf: {  	s11 =	sshrl.u32 s6, $0x3;
	s4 =	sadd.s32 $0x400, s4;
	[dreg:$0xa] =	wrdreg s19  }
0x10: {  	s21 =	sadd.s32 s1, s20;
	[dreg:$0xc] =	wrdreg s22;
	s24 =	sadd.s32 s1, s23  }
0x11: {  	s25 =	sadd.s32 s14, s20;
	s26 =	sadd.s32 $0x4800, s11;
	s9 =	sadd.s32 $0x6000, s11  }
0x12: {  	s5 =	sadd.s32 s14, s23;
	s12 =	sadd.s32 $0x7800, s11;
	[dreg:$0x9] =	wrdreg s4  }
0x13: {  	s13 =	sadd.s32 $0x9000, s11;
	s16 =	sadd.s32 $0xA800, s11;
	[dreg:$0xb] =	wrdreg s21  }
0x14: {  	s19 =	simm.s32 $0x80;
	s20 =	simm.s32 $0x880;
	[dreg:$0xd] =	wrdreg s24  }
0x15: {  	s22 =	simm.s32 $0x1880;
	s23 =	simm.s32 $0x2080;
	[dreg:$0xe] =	wrdreg s25  }
0x16: {  	s4 =	sadd.s32 s1, s26;
	s6 =	sadd.s32 s1, s9;
	s7 =	sadd.s32 s14, s26  }
0x17: {  	s8 =	sadd.s32 s1, s12;
	s9 =	sadd.s32 s14, s9;
	s10 =	sadd.s32 s1, s13  }
0x18: {  	v2 =	vlaneseq.u32;
	s11 =	sadd.s32 s14, s12;
	s12 =	sadd.s32 s1, s16;
	s13 =	sadd.s32 s14, s13  }
0x19: {  	vm0 =	vmmov $0xffff;
	v1 =	vshrl.u32 v2, $0x3;
	s14 =	sadd.s32 s14, s16;
	s21 =	simm.s32 $0x1080;
	s24 =	simm.s32 $0x2880  }
0x1a: {  	v0 =	vand.u32 $0x7, v2;
	v2 =	vor.u32 $0x8, v2;
	v1 =	vmul.u32 $0x8, v1;
	s25 =	simm.s32 $0x1;
	s26 =	simm.s32 $0x5080;
	s1 =	simm.s32 $0x5  }
.LBB2_1:
0x1b: {  	s0 =	rddreg [dreg:$0x7];
	s16 =	simm.s32 $0x4880  }
0x1c: {  	[tilespmem:s16], [sflag:$0x6] =	stream.linear.gather [hbm4b:s0+s3], $0x800, $0x38;
	[tilespmem:$0x1D080] =	vst v63  }
0x1d: {  	_ =	swait.ge [sflag:s17], $0x800  }
0x1e: {  	[sflag:s17] =	ssyncset.done $0x0  }
0x1f: {  	s16 =	rddreg [dreg:$0x8];
	[sflag:s17] =	ssyncadd.s32 $0xFFFFF800  }
0x20: {  	[tilespmem:s18], [sflag:$0x6] =	stream.linear.gather [hbm4b:s16+s3], $0x1800, $0x38;
	[tilespmem:$0x1D080] =	vst v63  }
0x21: {  	_ =	swait.ge [sflag:s17], $0x1800  }
0x22: {  	[sflag:s17] =	ssyncset.done $0x0  }
0x23: {  	s16 =	rddreg [dreg:$0x9];
	[sflag:s17] =	ssyncadd.s32 $0xFFFFE800  }
0x24: {  	[tilespmem:s3], [sflag:$0x6] =	stream.linear.gather [hbm4b:s16+s3], $0x30, $0x38;
	[tilespmem:$0x1D080] =	vst v63  }
0x25: {  	_ =	swait.ge [sflag:s17], $0x30  }
0x26: {  	[sflag:s17] =	ssyncset.done $0x0  }
0x27: {  	[sflag:s17] =	ssyncadd.s32 $0xFFFFFFD0  }
0x28: {  	v3 =	vld [tilespmem:$0x0];
	_ =	sdelay $0x4  }
0x29: {  	v4 =	vshll.u32 v3, $0x1  }
0x2a: {  	v3 =	vand.u32 $0x7, v3;
	v4 =	vand.u32 $0xFFFFFFF0, v4  }
0x2b: {  	v3 =	vor.u32 v3, v4  }
0x2c: {  	v4 =	vperm.xlane v3, v0;
	_ =	sdelay $0x1  }
0x2d: {  	v3 =	vperm.xlane v3, v2;
	v4 =	vadd.s32 v1, v4;
	_ =	sdelay $0x1  }
0x2e: {  	v3 =	vadd.s32 v1, v3;
	_ =	sdelay $0x2  }
0x2f: {  	[tilespmem:s19], [sflag:$0x1] =	stream.indirect_vreg.gather [hbm4b:s2+s3], $0x80, v4, vm0, $0xb8;
	[tilespmem:$0x1D080] =	vst v63  }
0x30: {  	_ = 	snop  }
0x31: {  	[tilespmem:s20], [sflag:$0x1] =	stream.indirect_vreg.gather [hbm4b:s2+s3], $0x80, v3, vm0, $0xb8;
	[tilespmem:$0x1D080] =	vst v63  }
0x32: {  	v3 =	vld [tilespmem:$0x10];
	_ =	sdelay $0x4  }
0x33: {  	v62 =	vshll.u32 v3, $0x1  }
0x34: {  	v3 =	vand.u32 $0x7, v3;
	v4 =	vand.u32 $0xFFFFFFF0, v62  }
0x35: {  	v3 =	vor.u32 v3, v4  }
0x36: {  	v4 =	vperm.xlane v3, v0;
	_ =	sdelay $0x1  }
0x37: {  	v3 =	vperm.xlane v3, v2;
	v4 =	vadd.s32 v1, v4;
	_ =	sdelay $0x1  }
0x38: {  	v3 =	vadd.s32 v1, v3;
	_ =	sdelay $0x2  }
0x39: {  	[tilespmem:s21], [sflag:$0x1] =	stream.indirect_vreg.gather [hbm4b:s2+s3], $0x80, v4, vm0, $0xb8;
	[tilespmem:$0x1D080] =	vst v63  }
0x3a: {  	_ = 	snop  }
0x3b: {  	[tilespmem:s22], [sflag:$0x1] =	stream.indirect_vreg.gather [hbm4b:s2+s3], $0x80, v3, vm0, $0xb8;
	[tilespmem:$0x1D080] =	vst v63  }
0x3c: {  	v3 =	vld [tilespmem:$0x20];
	_ =	sdelay $0x4  }
0x3d: {  	v63 =	vshll.u32 v3, $0x1  }
0x3e: {  	v3 =	vand.u32 $0x7, v3;
	v4 =	vand.u32 $0xFFFFFFF0, v63  }
0x3f: {  	v3 =	vor.u32 v3, v4  }
0x40: {  	v4 =	vperm.xlane v3, v0;
	_ =	sdelay $0x1  }
0x41: {  	v3 =	vperm.xlane v3, v2;
	v4 =	vadd.s32 v1, v4;
	_ =	sdelay $0x1  }
0x42: {  	v3 =	vadd.s32 v1, v3;
	_ =	sdelay $0x2  }
0x43: {  	[tilespmem:s23], [sflag:$0x1] =	stream.indirect_vreg.gather [hbm4b:s2+s3], $0x80, v4, vm0, $0xb8;
	[tilespmem:$0x1D080] =	vst v63  }
0x44: {  	_ = 	snop  }
0x45: {  	[tilespmem:s24], [sflag:$0x1] =	stream.indirect_vreg.gather [hbm4b:s2+s3], $0x80, v3, vm0, $0xb8;
	[tilespmem:$0x1D080] =	vst v63  }
0x46: {  	_ =	swait.ge [sflag:s25], $0x3000  }
0x47: {  	[sflag:s25] =	ssyncset.done $0x0  }
0x48: {  	s16 =	rddreg [dreg:$0xa];
	[sflag:s25] =	ssyncadd.s32 $0xFFFFD000  }
0x49: {  	[tilespmem:s26], [sflag:$0x2] =	stream.linear.gather [hbm4b:s16+s3], $0xC000, $0x38;
	[tilespmem:$0x1D080] =	vst v63  }
0x4a: {  	_ =	swait.ge [sflag:s28], $0xC000  }
0x4b: {  	[sflag:s28] =	ssyncset.done $0x0  }
0x4c: {  	s0 =	rddreg [dreg:$0xb];
	[sflag:s28] =	ssyncadd.s32 $0xFFFF4000  }
0x4d: {  	[tilespmem:s29], [sflag:$0x3] =	stream.linear.gather [hbm4b:s0+s3], $0xC000, $0x38;
	[tilespmem:$0x1D080] =	vst v63  }
0x4e: {  	s16 =	rddreg [dreg:$0xc]  }
0x4f: {  	[hbm4b:s16+s3] =	stream.linear.scatter [tilespmem:s26], [sflag:$0x4], $0xC000, $0x38;
	[tilespmem:$0x1D080] =	vst v63  }
0x50: {  	_ =	swait.ge [sflag:s30], $0xC000  }
0x51: {  	[sflag:s30] =	ssyncset.done $0x0  }
0x52: {  	[sflag:s30] =	ssyncadd.s32 $0xFFFF4000  }
0x53: {  	_ =	swait.ge [sflag:s31], $0xC000  }
0x54: {  	[sflag:s31] =	ssyncset.done $0x0  }
0x55: {  	s0 =	rddreg [dreg:$0xd];
	[sflag:s31] =	ssyncadd.s32 $0xFFFF4000  }
0x56: {  	[tilespmem:s26], [sflag:$0x2] =	stream.linear.gather [hbm4b:s0+s3], $0xC000, $0x38;
	[tilespmem:$0x1D080] =	vst v63  }
0x57: {  	s16 =	rddreg [dreg:$0xe]  }
0x58: {  	[hbm4b:s16+s3] =	stream.linear.scatter [tilespmem:s29], [sflag:$0x5], $0xC000, $0x38;
	[tilespmem:$0x1D080] =	vst v63  }
0x59: {  	_ =	swait.ge [sflag:s28], $0xC000  }
0x5a: {  	[sflag:s28] =	ssyncset.done $0x0  }
0x5b: {  	[sflag:s28] =	ssyncadd.s32 $0xFFFF4000  }
0x5c: {  	_ =	swait.ge [sflag:s1], $0xC000  }
0x5d: {  	[sflag:s1] =	ssyncset.done $0x0  }
0x5e: {  	[sflag:s1] =	ssyncadd.s32 $0xFFFF4000  }
0x5f: {  	[tilespmem:s29], [sflag:$0x3] =	stream.linear.gather [hbm4b:s4+s3], $0xC000, $0x38;
	[tilespmem:$0x1D080] =	vst v63  }
0x60: {  	_ = 	snop  }
0x61: {  	[hbm4b:s5+s3] =	stream.linear.scatter [tilespmem:s26], [sflag:$0x4], $0xC000, $0x38;
	[tilespmem:$0x1D080] =	vst v63  }
0x62: {  	_ =	swait.ge [sflag:s30], $0xC000  }
0x63: {  	[sflag:s30] =	ssyncset.done $0x0  }
0x64: {  	[sflag:s30] =	ssyncadd.s32 $0xFFFF4000  }
0x65: {  	_ =	swait.ge [sflag:s31], $0xC000  }
0x66: {  	[sflag:s31] =	ssyncset.done $0x0  }
0x67: {  	[sflag:s31] =	ssyncadd.s32 $0xFFFF4000  }
0x68: {  	[tilespmem:s26], [sflag:$0x2] =	stream.linear.gather [hbm4b:s6+s3], $0xC000, $0x38;
	[tilespmem:$0x1D080] =	vst v63  }
0x69: {  	_ = 	snop  }
0x6a: {  	[hbm4b:s7+s3] =	stream.linear.scatter [tilespmem:s29], [sflag:$0x5], $0xC000, $0x38;
	[tilespmem:$0x1D080] =	vst v63  }
0x6b: {  	_ =	swait.ge [sflag:s28], $0xC000  }
0x6c: {  	[sflag:s28] =	ssyncset.done $0x0  }
0x6d: {  	[sflag:s28] =	ssyncadd.s32 $0xFFFF4000  }
0x6e: {  	_ =	swait.ge [sflag:s1], $0xC000  }
0x6f: {  	[sflag:s1] =	ssyncset.done $0x0  }
0x70: {  	[sflag:s1] =	ssyncadd.s32 $0xFFFF4000  }
0x71: {  	[tilespmem:s29], [sflag:$0x3] =	stream.linear.gather [hbm4b:s8+s3], $0xC000, $0x38;
	[tilespmem:$0x1D080] =	vst v63  }
0x72: {  	_ = 	snop  }
0x73: {  	[hbm4b:s9+s3] =	stream.linear.scatter [tilespmem:s26], [sflag:$0x4], $0xC000, $0x38;
	[tilespmem:$0x1D080] =	vst v63  }
0x74: {  	_ =	swait.ge [sflag:s30], $0xC000  }
0x75: {  	[sflag:s30] =	ssyncset.done $0x0  }
0x76: {  	[sflag:s30] =	ssyncadd.s32 $0xFFFF4000  }
0x77: {  	_ =	swait.ge [sflag:s31], $0xC000  }
0x78: {  	[sflag:s31] =	ssyncset.done $0x0  }
0x79: {  	[sflag:s31] =	ssyncadd.s32 $0xFFFF4000  }
0x7a: {  	[tilespmem:s26], [sflag:$0x2] =	stream.linear.gather [hbm4b:s10+s3], $0xC000, $0x38;
	[tilespmem:$0x1D080] =	vst v63  }
0x7b: {  	_ = 	snop  }
0x7c: {  	[hbm4b:s11+s3] =	stream.linear.scatter [tilespmem:s29], [sflag:$0x5], $0xC000, $0x38;
	[tilespmem:$0x1D080] =	vst v63  }
0x7d: {  	_ =	swait.ge [sflag:s28], $0xC000  }
0x7e: {  	[sflag:s28] =	ssyncset.done $0x0  }
0x7f: {  	[sflag:s28] =	ssyncadd.s32 $0xFFFF4000  }
0x80: {  	_ =	swait.ge [sflag:s1], $0xC000  }
0x81: {  	[sflag:s1] =	ssyncset.done $0x0  }
0x82: {  	[sflag:s1] =	ssyncadd.s32 $0xFFFF4000  }
0x83: {  	[tilespmem:s29], [sflag:$0x3] =	stream.linear.gather [hbm4b:s12+s3], $0xC000, $0x38;
	[tilespmem:$0x1D080] =	vst v63  }
0x84: {  	_ = 	snop  }
0x85: {  	[hbm4b:s13+s3] =	stream.linear.scatter [tilespmem:s26], [sflag:$0x4], $0xC000, $0x38;
	[tilespmem:$0x1D080] =	vst v63  }
0x86: {  	_ =	swait.ge [sflag:s30], $0xC000  }
0x87: {  	[sflag:s30] =	ssyncset.done $0x0  }
0x88: {  	[sflag:s30] =	ssyncadd.s32 $0xFFFF4000  }
0x89: {  	_ =	swait.ge [sflag:s31], $0xC000  }
0x8a: {  	p0 =	sne.s32 s15, $0x1;
	[sflag:s31] =	ssyncset.done $0x0  }
.Ltmp0:
0x8b: {  	[sflag:s31] =	ssyncadd.s32 $0xFFFF4000;
	(pc) =	sbr.rel @p0 .LBB2_1-.Ltmp0, $4  }
0x8c: {  	[hbm4b:s14+s3] =	stream.linear.scatter [tilespmem:s29], [sflag:$0x5], $0xC000, $0x38;
	[tilespmem:$0x1D080] =	vst v63  }
0x8d: {  	_ =	swait.ge [sflag:s1], $0xC000  }
0x8e: {  	[sflag:s1] =	ssyncset.done $0x0  }
0x8f: {  	s15 =	sadd.s32 $0xFFFFFFFF, s15;
	[sflag:s1] =	ssyncadd.s32 $0xFFFF4000  }
0x90: {  	_ =	sfence.sel $0x180000  }
0x91: {  	[bflag:$0x0] =	sbarrier.arrive $0xFFFF  }
0x92: {  	_ =	strace $0x90000047  }
0x93: {  	s0 =	stileid.u32;
	[bflag:$0x2] =	sbarrier.arrive $0xFFFF  }
0x94: {  	p0 =	sne.s32 s0, $0x0;
	s0 =	rddreg [dreg:$0x6]  }
0x95: {  	s0 =	sadd.s32 @!p0 $0x100000, s0  }
0x96: {  	[sflag:s0] =	ssyncadd.tile.s32 @!p0 $0x1;
	_ =	shalt  }
.Lfunc_end2:
_tile_overlayer_lowered:
.L_overlay_start_2:
0x97: {  	(tag) =	ssettag $0x2  }
0x98: {  	s0 =	rddreg [dreg:$0x0];
	s2 =	stileid.u32  }
0x99: {  	s1 =	rddreg [dreg:$0x1];
	p0 =	sne.s32 s2, $0x0  }
0x9a: {  	s3 =	rddreg [dreg:$0x2];
	[bflag:$0x3] =	sbarrier.arrive $0xFFFF;
	s2 =	simm.s32 @!p0 $0x1C06  }
0x9b: {  	[timem:s3], [sflag:s2] =	dma.local @!p0 [hbm:s0], s1  }
0x9c: {  	s0 =	simm.s32 @!p0 $0x6  }
0x9d: {  	_ =	swait.ge @!p0 [sflag:s0], s1  }
0x9e: {  	s1 =	ssub.s32 @!p0 $0x0, s1;
	[sflag:s0] =	ssyncset.done @!p0 $0x0  }
0x9f: {  	[sflag:s0] =	ssyncadd.s32 @!p0 s1  }
0xa0: {  	[bflag:$0x3] =	sbarrier.arrive $0xFFFF  }
0xa1: {  	_ =	shalt  }

</sc_bundles>
